<compile_context>
chip_gen: v7x
topology: tpu7x:2x2x1
jax: 0.10.2.dev20260603
libtpu: 0.0.44.dev20260713+nightly
codegen_flags: <defaults>
</compile_context>

<pallas_src>
import dataclasses

import jax
import jax.numpy as jnp
from jax.experimental import pallas as pl
from jax.experimental.pallas import tpu as pltpu
from jax.experimental.pallas import tpu_sc as plsc

H = 2048
FF = 4096
E = 8
B = 32
BF = 512
NF = FF // BF
LANES = 16
NEG = float(jnp.finfo(jnp.float32).min)


def _gate_sc_body(x_hbm, gt_hbm, o_hbm, xv, gtv, acc, wout, sem):
    c = jax.lax.axis_index("c")
    s = jax.lax.axis_index("s")
    b = c * 16 + s
    pltpu.async_copy(x_hbm.at[b], xv, sem).wait()
    pltpu.async_copy(gt_hbm, gtv, sem).wait()

    for e in range(E):
        acc[e, :] = jnp.zeros((LANES,), jnp.float32)

    @pl.loop(0, H, step=LANES)
    def _(k):
        xk = xv[pl.ds(k, LANES)]
        for e in range(E):
            acc[e, :] += xk * gtv[e, pl.ds(k, LANES)]

    lane = jax.lax.iota(jnp.int32, LANES)
    logits = jnp.full((LANES,), NEG, jnp.float32)
    for e in range(E):
        logits = jnp.where(lane == e, jnp.sum(acc[e, :]), logits)

    ex0 = jnp.max(logits)
    cond0 = logits == ex0
    masked = jnp.where(cond0, NEG, logits)
    ex1 = jnp.max(masked)
    cond1 = masked == ex1
    d = jnp.broadcast_to(ex1 - ex0, (LANES,))
    w_pre = 1.0 / (1.0 + jnp.exp(d))
    zero = jnp.zeros((LANES,), jnp.float32)
    wout[...] = jnp.where(cond0, w_pre, zero) - jnp.where(cond1, w_pre - 1.0, zero)
    pltpu.async_copy(wout, o_hbm.at[b], sem).wait()


def _sc_compiler_params():
    cp = pltpu.CompilerParams()
    if "needs_layout_passes" in pltpu.CompilerParams.__dataclass_fields__:
        cp = dataclasses.replace(cp, needs_layout_passes=False)
    return cp


def _gate_sc(xb, gt):
    return pl.kernel(
        _gate_sc_body,
        out_type=jax.ShapeDtypeStruct((B, LANES), jnp.float32),
        mesh=plsc.VectorSubcoreMesh(core_axis_name="c", subcore_axis_name="s"),
        scratch_types=[
            pltpu.VMEM((H,), jnp.float32),
            pltpu.VMEM((E, H), jnp.float32),
            pltpu.VMEM((E, LANES), jnp.float32),
            pltpu.VMEM((LANES,), jnp.float32),
            pltpu.SemaphoreType.DMA,
        ],
        compiler_params=_sc_compiler_params(),
    )(xb, gt)


def _moe_body(x_ref, wts_ref, w1_ref, w3_ref, w2_ref, out_ref):
    e = pl.program_id(0)
    f = pl.program_id(1)
    first = (e == 0) & (f == 0)

    xb = x_ref[...]
    h1 = jnp.dot(xb, w1_ref[0], preferred_element_type=jnp.float32)
    h3 = jnp.dot(xb, w3_ref[0], preferred_element_type=jnp.float32)
    g = (h1 * jax.nn.sigmoid(h1)) * h3
    wts = wts_ref[...]
    lane = jax.lax.broadcasted_iota(jnp.int32, (B, LANES), 1)
    wcol = jnp.sum(jnp.where(lane == e, wts, 0.0), axis=1, keepdims=True)
    g = g * wcol
    partial = jnp.dot(g, w2_ref[0], preferred_element_type=jnp.float32)

    @pl.when(first)
    def _init():
        out_ref[...] = partial

    @pl.when(~first)
    def _acc():
        out_ref[...] += partial


def kernel(x, gate_w, w1, w3, w2):
    xb = x.reshape(B, H)
    wts16 = _gate_sc(xb, gate_w.T)
    out = pl.pallas_call(
        _moe_body,
        grid=(E, NF),
        in_specs=[
            pl.BlockSpec((B, H), lambda e, f: (0, 0)),
            pl.BlockSpec((B, LANES), lambda e, f: (0, 0)),
            pl.BlockSpec((1, H, BF), lambda e, f: (e, 0, f)),
            pl.BlockSpec((1, H, BF), lambda e, f: (e, 0, f)),
            pl.BlockSpec((1, BF, H), lambda e, f: (e, f, 0)),
        ],
        out_specs=pl.BlockSpec((B, H), lambda e, f: (0, 0)),
        out_shape=jax.ShapeDtypeStruct((B, H), jnp.float32),
        compiler_params=pltpu.CompilerParams(
            dimension_semantics=("arbitrary", "arbitrary"),
        ),
    )(xb, wts16, w1, w3, w2)
    return out.reshape(1, 1, B, H)

# --- scband reference (transcript-rebuilt; emitter-appended) ---
"""Pipeline reference for scband-tt-moe-layer-18305150616008 (READ-ONLY COPY).

The authoritative reference and input builder live on the scoring server;
editing this copy changes nothing except your own understanding.
"""

import jax, jax.numpy as jnp
import numpy as np

H = 2048
FF = 4096
E = 8
B = 32


def setup_inputs(seed: int = 0) -> dict:
    key = jax.random.key(seed)
    ks = jax.random.split(key, 5)
    x = jax.random.normal(ks[0], (1, 1, B, H), dtype=jnp.float32)
    gate_w = jax.random.normal(ks[1], (H, E), dtype=jnp.float32) * 0.02
    w1 = jax.random.normal(ks[2], (E, H, FF), dtype=jnp.float32) * 0.02
    w3 = jax.random.normal(ks[3], (E, H, FF), dtype=jnp.float32) * 0.02
    w2 = jax.random.normal(ks[4], (E, FF, H), dtype=jnp.float32) * 0.02
    return {"x": x, "gate_w": gate_w, "w1": w1, "w3": w3, "w2": w2}


def _top2_weights(gate_logits_1SBE):
    # Faithful translation of the ttnn top_2 helper.
    neg_inf = jnp.finfo(jnp.float32).min
    # weights_ex0_1SB1 = max over experts (top-1 logit)
    ex0 = jnp.max(gate_logits_1SBE, axis=3, keepdims=True)
    # cond0 = one-hot of argmax: eq(gate_logits, max broadcast via matmul with id_18)
    cond0 = (gate_logits_1SBE == ex0).astype(jnp.float32)
    # where(cond0, top_2_mask(=float min), gate_logits)
    masked = jnp.where(cond0 > 0, neg_inf, gate_logits_1SBE)
    # weights_ex1_1SB1 = max of masked logits (top-2 logit)
    ex1 = jnp.max(masked, axis=3, keepdims=True)
    cond1 = (masked == ex1).astype(jnp.float32)
    # weights_pre_softmax = 1 / (1 + exp(ex1 - ex0))  == softmax weight of top-1 among {top1, top2}
    w_pre = 1.0 / (1.0 + jnp.exp(ex1 - ex0))
    # per-expert routing weight: top1 gets w_pre, top2 gets (1 - w_pre), others 0.
    # (original computes cond@expert_mask[i] per device; here we form all E columns at once)
    weights_1SBE = cond0 * w_pre - cond1 * (w_pre - 1.0)
    return weights_1SBE


def reference(x, gate_w, w1, w3, w2):
    # gate_logits_1SB8 = linear(input, gate) -- gate weights replicated on every device
    gate_logits = jnp.einsum('abch,he->abce', x, gate_w)  # [1,1,B,E]
    weights = _top2_weights(gate_logits)                  # [1,1,B,E]
    xb = x[0, 0]                                          # [B,H]
    # expert_i_HD(input) on each device i: SwiGLU MLP (Mixtral expert)
    h1 = jnp.einsum('bh,ehf->ebf', xb, w1)                # [E,B,FF]
    h3 = jnp.einsum('bh,ehf->ebf', xb, w3)                # [E,B,FF]
    expert_out = jnp.einsum('ebf,efh->ebh', jax.nn.silu(h1) * h3, w2)  # [E,B,H]
    # results_11BD = expert_out * weights_1SB1 per device,
    # then all_gather over dim 2 + reduce_mask matmul == sum over devices/experts
    wts = jnp.transpose(weights[0, 0])                    # [E,B]
    out = jnp.sum(expert_out * wts[:, :, None], axis=0)   # [B,H]
    return out[None, None]                                # [1,1,B,H]

if __name__ == "__main__":
    import jax
    _d = setup_inputs()
    print(jax.jit(kernel)(*tuple(_d.values())))

</pallas_src>

<mosaic_0001>
#map = affine_map<(d0, d1) -> (0, 0)>
module attributes {stable_mosaic.version = 14 : i64} {
  func.func @_gate_sc_body(%arg0: i32, %arg1: i32, %arg2: memref<32x2048xf32, #tpu.memory_space<hbm>>, %arg3: memref<8x2048xf32, #tpu.memory_space<hbm>>, %arg4: memref<32x16xf32, #tpu.memory_space<hbm>>, %arg5: memref<2048xf32, #tpu.memory_space<vmem>>, %arg6: memref<8x2048xf32, #tpu.memory_space<vmem>>, %arg7: memref<8x16xf32, #tpu.memory_space<vmem>>, %arg8: memref<16xf32, #tpu.memory_space<vmem>>, %arg9: memref<!tpu.dma_semaphore, #tpu.memory_space<semaphore_mem>>) attributes {dimension_semantics = [#tpu.dimension_semantics<core_parallel>, #tpu.dimension_semantics<subcore_parallel>], iteration_bounds = array<i64: 2, 16>, scalar_prefetch = 0 : i64, scratch_operands = 5 : i64, tpu.core_type = #tpu.core_type<sc_vector_subcore>, window_params = [{transform_indices = #map}, {transform_indices = #map}, {transform_indices = #map}]} {
    %mul3A = arith.constant 16 : i32
    %mul3A_0 = arith.muli %arg0, %mul3A : i32
    %add3A = arith.addi %mul3A_0, %arg1 : i32
    %dma_start3A = arith.constant 0 : i32
    %dma_start3A_1 = tpu.memref_slice %arg2[%add3A, %dma_start3A] : memref<32x2048xf32, #tpu.memory_space<hbm>> -> memref<1x2048xf32, #tpu.memory_space<hbm>>
    %dma_start3A_2 = tpu.memref_squeeze %dma_start3A_1 : memref<1x2048xf32, #tpu.memory_space<hbm>> -> memref<2048xf32, #tpu.memory_space<hbm>>
    %dma_start3A_3 = arith.constant 0 : i32
    %dma_start3A_4 = tpu.memref_slice %arg2[%add3A, %dma_start3A_3] : memref<32x2048xf32, #tpu.memory_space<hbm>> -> memref<1x2048xf32, #tpu.memory_space<hbm>>
    %dma_start3A_5 = tpu.memref_squeeze %dma_start3A_4 : memref<1x2048xf32, #tpu.memory_space<hbm>> -> memref<2048xf32, #tpu.memory_space<hbm>>
    tpu.enqueue_dma source(%dma_start3A_5 : memref<2048xf32, #tpu.memory_space<hbm>>) target(%arg5 : memref<2048xf32, #tpu.memory_space<vmem>>) target_semaphore(%arg9 : memref<!tpu.dma_semaphore, #tpu.memory_space<semaphore_mem>>)
    %dma_wait3A = arith.constant 0 : i32
    %dma_wait3A_6 = tpu.memref_slice %arg2[%add3A, %dma_wait3A] : memref<32x2048xf32, #tpu.memory_space<hbm>> -> memref<1x2048xf32, #tpu.memory_space<hbm>>
    %dma_wait3A_7 = tpu.memref_squeeze %dma_wait3A_6 : memref<1x2048xf32, #tpu.memory_space<hbm>> -> memref<2048xf32, #tpu.memory_space<hbm>>
    %dma_wait3A_8 = arith.constant 0 : i32
    %dma_wait3A_9 = tpu.memref_slice %arg2[%add3A, %dma_wait3A_8] : memref<32x2048xf32, #tpu.memory_space<hbm>> -> memref<1x2048xf32, #tpu.memory_space<hbm>>
    %dma_wait3A_10 = tpu.memref_squeeze %dma_wait3A_9 : memref<1x2048xf32, #tpu.memory_space<hbm>> -> memref<2048xf32, #tpu.memory_space<hbm>>
    tpu.wait_dma2 semaphore(%arg9 : memref<!tpu.dma_semaphore, #tpu.memory_space<semaphore_mem>>) src(%dma_wait3A_10 : memref<2048xf32, #tpu.memory_space<hbm>>) dst(%arg5 : memref<2048xf32, #tpu.memory_space<vmem>>)
    tpu.enqueue_dma source(%arg3 : memref<8x2048xf32, #tpu.memory_space<hbm>>) target(%arg6 : memref<8x2048xf32, #tpu.memory_space<vmem>>) target_semaphore(%arg9 : memref<!tpu.dma_semaphore, #tpu.memory_space<semaphore_mem>>)
    tpu.wait_dma2 semaphore(%arg9 : memref<!tpu.dma_semaphore, #tpu.memory_space<semaphore_mem>>) src(%arg3 : memref<8x2048xf32, #tpu.memory_space<hbm>>) dst(%arg6 : memref<8x2048xf32, #tpu.memory_space<vmem>>)
    %broadcast_in_dim3A = arith.constant 0.000000e+00 : f32
    %broadcast_in_dim3A_11 = vector.broadcast %broadcast_in_dim3A : f32 to vector<16xf32>
    %swap3A = arith.constant 0 : i32
    %swap3A_12 = arith.index_cast %swap3A : i32 to index
    %swap3A_13 = arith.constant 0 : index
    %swap3A_14 = tpu.vector_load %arg7[%swap3A_12, %swap3A_13] {strides = array<i32>} : memref<8x16xf32, #tpu.memory_space<vmem>>, vector<16xf32>,
    tpu.vector_store %arg7[%swap3A_12, %swap3A_13], %broadcast_in_dim3A_11 {strides = array<i32>} : memref<8x16xf32, #tpu.memory_space<vmem>>, vector<16xf32>,
    %broadcast_in_dim3A_15 = arith.constant 0.000000e+00 : f32
    %broadcast_in_dim3A_16 = vector.broadcast %broadcast_in_dim3A_15 : f32 to vector<16xf32>
    %swap3A_17 = arith.constant 1 : i32
    %swap3A_18 = arith.index_cast %swap3A_17 : i32 to index
    %swap3A_19 = arith.constant 0 : index
    %swap3A_20 = tpu.vector_load %arg7[%swap3A_18, %swap3A_19] {strides = array<i32>} : memref<8x16xf32, #tpu.memory_space<vmem>>, vector<16xf32>,
    tpu.vector_store %arg7[%swap3A_18, %swap3A_19], %broadcast_in_dim3A_16 {strides = array<i32>} : memref<8x16xf32, #tpu.memory_space<vmem>>, vector<16xf32>,
    %broadcast_in_dim3A_21 = arith.constant 0.000000e+00 : f32
    %broadcast_in_dim3A_22 = vector.broadcast %broadcast_in_dim3A_21 : f32 to vector<16xf32>
    %swap3A_23 = arith.constant 2 : i32
    %swap3A_24 = arith.index_cast %swap3A_23 : i32 to index
    %swap3A_25 = arith.constant 0 : index
    %swap3A_26 = tpu.vector_load %arg7[%swap3A_24, %swap3A_25] {strides = array<i32>} : memref<8x16xf32, #tpu.memory_space<vmem>>, vector<16xf32>,
    tpu.vector_store %arg7[%swap3A_24, %swap3A_25], %broadcast_in_dim3A_22 {strides = array<i32>} : memref<8x16xf32, #tpu.memory_space<vmem>>, vector<16xf32>,
    %broadcast_in_dim3A_27 = arith.constant 0.000000e+00 : f32
    %broadcast_in_dim3A_28 = vector.broadcast %broadcast_in_dim3A_27 : f32 to vector<16xf32>
    %swap3A_29 = arith.constant 3 : i32
    %swap3A_30 = arith.index_cast %swap3A_29 : i32 to index
    %swap3A_31 = arith.constant 0 : index
    %swap3A_32 = tpu.vector_load %arg7[%swap3A_30, %swap3A_31] {strides = array<i32>} : memref<8x16xf32, #tpu.memory_space<vmem>>, vector<16xf32>,
    tpu.vector_store %arg7[%swap3A_30, %swap3A_31], %broadcast_in_dim3A_28 {strides = array<i32>} : memref<8x16xf32, #tpu.memory_space<vmem>>, vector<16xf32>,
    %broadcast_in_dim3A_33 = arith.constant 0.000000e+00 : f32
    %broadcast_in_dim3A_34 = vector.broadcast %broadcast_in_dim3A_33 : f32 to vector<16xf32>
    %swap3A_35 = arith.constant 4 : i32
    %swap3A_36 = arith.index_cast %swap3A_35 : i32 to index
    %swap3A_37 = arith.constant 0 : index
    %swap3A_38 = tpu.vector_load %arg7[%swap3A_36, %swap3A_37] {strides = array<i32>} : memref<8x16xf32, #tpu.memory_space<vmem>>, vector<16xf32>,
    tpu.vector_store %arg7[%swap3A_36, %swap3A_37], %broadcast_in_dim3A_34 {strides = array<i32>} : memref<8x16xf32, #tpu.memory_space<vmem>>, vector<16xf32>,
    %broadcast_in_dim3A_39 = arith.constant 0.000000e+00 : f32
    %broadcast_in_dim3A_40 = vector.broadcast %broadcast_in_dim3A_39 : f32 to vector<16xf32>
    %swap3A_41 = arith.constant 5 : i32
    %swap3A_42 = arith.index_cast %swap3A_41 : i32 to index
    %swap3A_43 = arith.constant 0 : index
    %swap3A_44 = tpu.vector_load %arg7[%swap3A_42, %swap3A_43] {strides = array<i32>} : memref<8x16xf32, #tpu.memory_space<vmem>>, vector<16xf32>,
    tpu.vector_store %arg7[%swap3A_42, %swap3A_43], %broadcast_in_dim3A_40 {strides = array<i32>} : memref<8x16xf32, #tpu.memory_space<vmem>>, vector<16xf32>,
    %broadcast_in_dim3A_45 = arith.constant 0.000000e+00 : f32
    %broadcast_in_dim3A_46 = vector.broadcast %broadcast_in_dim3A_45 : f32 to vector<16xf32>
    %swap3A_47 = arith.constant 6 : i32
    %swap3A_48 = arith.index_cast %swap3A_47 : i32 to index
    %swap3A_49 = arith.constant 0 : index
    %swap3A_50 = tpu.vector_load %arg7[%swap3A_48, %swap3A_49] {strides = array<i32>} : memref<8x16xf32, #tpu.memory_space<vmem>>, vector<16xf32>,
    tpu.vector_store %arg7[%swap3A_48, %swap3A_49], %broadcast_in_dim3A_46 {strides = array<i32>} : memref<8x16xf32, #tpu.memory_space<vmem>>, vector<16xf32>,
    %broadcast_in_dim3A_51 = arith.constant 0.000000e+00 : f32
    %broadcast_in_dim3A_52 = vector.broadcast %broadcast_in_dim3A_51 : f32 to vector<16xf32>
    %swap3A_53 = arith.constant 7 : i32
    %swap3A_54 = arith.index_cast %swap3A_53 : i32 to index
    %swap3A_55 = arith.constant 0 : index
    %swap3A_56 = tpu.vector_load %arg7[%swap3A_54, %swap3A_55] {strides = array<i32>} : memref<8x16xf32, #tpu.memory_space<vmem>>, vector<16xf32>,
    tpu.vector_store %arg7[%swap3A_54, %swap3A_55], %broadcast_in_dim3A_52 {strides = array<i32>} : memref<8x16xf32, #tpu.memory_space<vmem>>, vector<16xf32>,
    %scan3A = arith.constant 0 : i32
    %scan3A_57 = arith.constant 128 : i32
    %scan3A_58 = arith.addi %scan3A, %scan3A_57 : i32
    %scan3A_59 = arith.constant 1 : i32
    scf.for %scan3A_204 = %scan3A to %scan3A_58 step %scan3A_59  : i32 {
      %mul3A_205 = arith.constant 16 : i32
      %mul3A_206 = arith.muli %scan3A_204, %mul3A_205 : i32
      %add3A_207 = arith.constant 0 : i32
      %add3A_208 = arith.addi %add3A_207, %mul3A_206 : i32
      %get3A_209 = arith.index_cast %add3A_208 : i32 to index
      %get3A_210 = tpu.vector_load %arg5[%get3A_209] {strides = array<i32>} : memref<2048xf32, #tpu.memory_space<vmem>>, vector<16xf32>,
      %get3A_211 = arith.constant 0 : i32
      %get3A_212 = arith.index_cast %get3A_211 : i32 to index
      %get3A_213 = arith.constant 0 : index
      %get3A_214 = tpu.vector_load %arg7[%get3A_212, %get3A_213] {strides = array<i32>} : memref<8x16xf32, #tpu.memory_space<vmem>>, vector<16xf32>,
      %get3A_215 = arith.constant 0 : i32
      %get3A_216 = arith.index_cast %get3A_215 : i32 to index
      %get3A_217 = arith.index_cast %add3A_208 : i32 to index
      %get3A_218 = tpu.vector_load %arg6[%get3A_216, %get3A_217] {strides = array<i32>} : memref<8x2048xf32, #tpu.memory_space<vmem>>, vector<16xf32>,
      %mul3A_219 = arith.mulf %get3A_210, %get3A_218 : vector<16xf32>
      %add3A_220 = arith.addf %get3A_214, %mul3A_219 : vector<16xf32>
      %swap3A_221 = arith.constant 0 : i32
      %swap3A_222 = arith.index_cast %swap3A_221 : i32 to index
      %swap3A_223 = arith.constant 0 : index
      %swap3A_224 = tpu.vector_load %arg7[%swap3A_222, %swap3A_223] {strides = array<i32>} : memref<8x16xf32, #tpu.memory_space<vmem>>, vector<16xf32>,
      tpu.vector_store %arg7[%swap3A_222, %swap3A_223], %add3A_220 {strides = array<i32>} : memref<8x16xf32, #tpu.memory_space<vmem>>, vector<16xf32>,
      %get3A_225 = arith.constant 1 : i32
      %get3A_226 = arith.index_cast %get3A_225 : i32 to index
      %get3A_227 = arith.constant 0 : index
      %get3A_228 = tpu.vector_load %arg7[%get3A_226, %get3A_227] {strides = array<i32>} : memref<8x16xf32, #tpu.memory_space<vmem>>, vector<16xf32>,
      %get3A_229 = arith.constant 1 : i32
      %get3A_230 = arith.index_cast %get3A_229 : i32 to index
      %get3A_231 = arith.index_cast %add3A_208 : i32 to index
      %get3A_232 = tpu.vector_load %arg6[%get3A_230, %get3A_231] {strides = array<i32>} : memref<8x2048xf32, #tpu.memory_space<vmem>>, vector<16xf32>,
      %mul3A_233 = arith.mulf %get3A_210, %get3A_232 : vector<16xf32>
      %add3A_234 = arith.addf %get3A_228, %mul3A_233 : vector<16xf32>
      %swap3A_235 = arith.constant 1 : i32
      %swap3A_236 = arith.index_cast %swap3A_235 : i32 to index
      %swap3A_237 = arith.constant 0 : index
      %swap3A_238 = tpu.vector_load %arg7[%swap3A_236, %swap3A_237] {strides = array<i32>} : memref<8x16xf32, #tpu.memory_space<vmem>>, vector<16xf32>,
      tpu.vector_store %arg7[%swap3A_236, %swap3A_237], %add3A_234 {strides = array<i32>} : memref<8x16xf32, #tpu.memory_space<vmem>>, vector<16xf32>,
      %get3A_239 = arith.constant 2 : i32
      %get3A_240 = arith.index_cast %get3A_239 : i32 to index
      %get3A_241 = arith.constant 0 : index
      %get3A_242 = tpu.vector_load %arg7[%get3A_240, %get3A_241] {strides = array<i32>} : memref<8x16xf32, #tpu.memory_space<vmem>>, vector<16xf32>,
      %get3A_243 = arith.constant 2 : i32
      %get3A_244 = arith.index_cast %get3A_243 : i32 to index
      %get3A_245 = arith.index_cast %add3A_208 : i32 to index
      %get3A_246 = tpu.vector_load %arg6[%get3A_244, %get3A_245] {strides = array<i32>} : memref<8x2048xf32, #tpu.memory_space<vmem>>, vector<16xf32>,
      %mul3A_247 = arith.mulf %get3A_210, %get3A_246 : vector<16xf32>
      %add3A_248 = arith.addf %get3A_242, %mul3A_247 : vector<16xf32>
      %swap3A_249 = arith.constant 2 : i32
      %swap3A_250 = arith.index_cast %swap3A_249 : i32 to index
      %swap3A_251 = arith.constant 0 : index
      %swap3A_252 = tpu.vector_load %arg7[%swap3A_250, %swap3A_251] {strides = array<i32>} : memref<8x16xf32, #tpu.memory_space<vmem>>, vector<16xf32>,
      tpu.vector_store %arg7[%swap3A_250, %swap3A_251], %add3A_248 {strides = array<i32>} : memref<8x16xf32, #tpu.memory_space<vmem>>, vector<16xf32>,
      %get3A_253 = arith.constant 3 : i32
      %get3A_254 = arith.index_cast %get3A_253 : i32 to index
      %get3A_255 = arith.constant 0 : index
      %get3A_256 = tpu.vector_load %arg7[%get3A_254, %get3A_255] {strides = array<i32>} : memref<8x16xf32, #tpu.memory_space<vmem>>, vector<16xf32>,
      %get3A_257 = arith.constant 3 : i32
      %get3A_258 = arith.index_cast %get3A_257 : i32 to index
      %get3A_259 = arith.index_cast %add3A_208 : i32 to index
      %get3A_260 = tpu.vector_load %arg6[%get3A_258, %get3A_259] {strides = array<i32>} : memref<8x2048xf32, #tpu.memory_space<vmem>>, vector<16xf32>,
      %mul3A_261 = arith.mulf %get3A_210, %get3A_260 : vector<16xf32>
      %add3A_262 = arith.addf %get3A_256, %mul3A_261 : vector<16xf32>
      %swap3A_263 = arith.constant 3 : i32
      %swap3A_264 = arith.index_cast %swap3A_263 : i32 to index
      %swap3A_265 = arith.constant 0 : index
      %swap3A_266 = tpu.vector_load %arg7[%swap3A_264, %swap3A_265] {strides = array<i32>} : memref<8x16xf32, #tpu.memory_space<vmem>>, vector<16xf32>,
      tpu.vector_store %arg7[%swap3A_264, %swap3A_265], %add3A_262 {strides = array<i32>} : memref<8x16xf32, #tpu.memory_space<vmem>>, vector<16xf32>,
      %get3A_267 = arith.constant 4 : i32
      %get3A_268 = arith.index_cast %get3A_267 : i32 to index
      %get3A_269 = arith.constant 0 : index
      %get3A_270 = tpu.vector_load %arg7[%get3A_268, %get3A_269] {strides = array<i32>} : memref<8x16xf32, #tpu.memory_space<vmem>>, vector<16xf32>,
      %get3A_271 = arith.constant 4 : i32
      %get3A_272 = arith.index_cast %get3A_271 : i32 to index
      %get3A_273 = arith.index_cast %add3A_208 : i32 to index
      %get3A_274 = tpu.vector_load %arg6[%get3A_272, %get3A_273] {strides = array<i32>} : memref<8x2048xf32, #tpu.memory_space<vmem>>, vector<16xf32>,
      %mul3A_275 = arith.mulf %get3A_210, %get3A_274 : vector<16xf32>
      %add3A_276 = arith.addf %get3A_270, %mul3A_275 : vector<16xf32>
      %swap3A_277 = arith.constant 4 : i32
      %swap3A_278 = arith.index_cast %swap3A_277 : i32 to index
      %swap3A_279 = arith.constant 0 : index
      %swap3A_280 = tpu.vector_load %arg7[%swap3A_278, %swap3A_279] {strides = array<i32>} : memref<8x16xf32, #tpu.memory_space<vmem>>, vector<16xf32>,
      tpu.vector_store %arg7[%swap3A_278, %swap3A_279], %add3A_276 {strides = array<i32>} : memref<8x16xf32, #tpu.memory_space<vmem>>, vector<16xf32>,
      %get3A_281 = arith.constant 5 : i32
      %get3A_282 = arith.index_cast %get3A_281 : i32 to index
      %get3A_283 = arith.constant 0 : index
      %get3A_284 = tpu.vector_load %arg7[%get3A_282, %get3A_283] {strides = array<i32>} : memref<8x16xf32, #tpu.memory_space<vmem>>, vector<16xf32>,
      %get3A_285 = arith.constant 5 : i32
      %get3A_286 = arith.index_cast %get3A_285 : i32 to index
      %get3A_287 = arith.index_cast %add3A_208 : i32 to index
      %get3A_288 = tpu.vector_load %arg6[%get3A_286, %get3A_287] {strides = array<i32>} : memref<8x2048xf32, #tpu.memory_space<vmem>>, vector<16xf32>,
      %mul3A_289 = arith.mulf %get3A_210, %get3A_288 : vector<16xf32>
      %add3A_290 = arith.addf %get3A_284, %mul3A_289 : vector<16xf32>
      %swap3A_291 = arith.constant 5 : i32
      %swap3A_292 = arith.index_cast %swap3A_291 : i32 to index
      %swap3A_293 = arith.constant 0 : index
      %swap3A_294 = tpu.vector_load %arg7[%swap3A_292, %swap3A_293] {strides = array<i32>} : memref<8x16xf32, #tpu.memory_space<vmem>>, vector<16xf32>,
      tpu.vector_store %arg7[%swap3A_292, %swap3A_293], %add3A_290 {strides = array<i32>} : memref<8x16xf32, #tpu.memory_space<vmem>>, vector<16xf32>,
      %get3A_295 = arith.constant 6 : i32
      %get3A_296 = arith.index_cast %get3A_295 : i32 to index
      %get3A_297 = arith.constant 0 : index
      %get3A_298 = tpu.vector_load %arg7[%get3A_296, %get3A_297] {strides = array<i32>} : memref<8x16xf32, #tpu.memory_space<vmem>>, vector<16xf32>,
      %get3A_299 = arith.constant 6 : i32
      %get3A_300 = arith.index_cast %get3A_299 : i32 to index
      %get3A_301 = arith.index_cast %add3A_208 : i32 to index
      %get3A_302 = tpu.vector_load %arg6[%get3A_300, %get3A_301] {strides = array<i32>} : memref<8x2048xf32, #tpu.memory_space<vmem>>, vector<16xf32>,
      %mul3A_303 = arith.mulf %get3A_210, %get3A_302 : vector<16xf32>
      %add3A_304 = arith.addf %get3A_298, %mul3A_303 : vector<16xf32>
      %swap3A_305 = arith.constant 6 : i32
      %swap3A_306 = arith.index_cast %swap3A_305 : i32 to index
      %swap3A_307 = arith.constant 0 : index
      %swap3A_308 = tpu.vector_load %arg7[%swap3A_306, %swap3A_307] {strides = array<i32>} : memref<8x16xf32, #tpu.memory_space<vmem>>, vector<16xf32>,
      tpu.vector_store %arg7[%swap3A_306, %swap3A_307], %add3A_304 {strides = array<i32>} : memref<8x16xf32, #tpu.memory_space<vmem>>, vector<16xf32>,
      %get3A_309 = arith.constant 7 : i32
      %get3A_310 = arith.index_cast %get3A_309 : i32 to index
      %get3A_311 = arith.constant 0 : index
      %get3A_312 = tpu.vector_load %arg7[%get3A_310, %get3A_311] {strides = array<i32>} : memref<8x16xf32, #tpu.memory_space<vmem>>, vector<16xf32>,
      %get3A_313 = arith.constant 7 : i32
      %get3A_314 = arith.index_cast %get3A_313 : i32 to index
      %get3A_315 = arith.index_cast %add3A_208 : i32 to index
      %get3A_316 = tpu.vector_load %arg6[%get3A_314, %get3A_315] {strides = array<i32>} : memref<8x2048xf32, #tpu.memory_space<vmem>>, vector<16xf32>,
      %mul3A_317 = arith.mulf %get3A_210, %get3A_316 : vector<16xf32>
      %add3A_318 = arith.addf %get3A_312, %mul3A_317 : vector<16xf32>
      %swap3A_319 = arith.constant 7 : i32
      %swap3A_320 = arith.index_cast %swap3A_319 : i32 to index
      %swap3A_321 = arith.constant 0 : index
      %swap3A_322 = tpu.vector_load %arg7[%swap3A_320, %swap3A_321] {strides = array<i32>} : memref<8x16xf32, #tpu.memory_space<vmem>>, vector<16xf32>,
      tpu.vector_store %arg7[%swap3A_320, %swap3A_321], %add3A_318 {strides = array<i32>} : memref<8x16xf32, #tpu.memory_space<vmem>>, vector<16xf32>,
    }
    %scan3A_60 = arith.constant 128 : i32
    %iota3A = tpu.iota {dimensions = array<i32: 0>} : vector<16xi32>
    %broadcast_in_dim3A_61 = arith.constant -3.40282347E+38 : f32
    %broadcast_in_dim3A_62 = vector.broadcast %broadcast_in_dim3A_61 : f32 to vector<16xf32>
    %eq3A = arith.constant 0 : i32
    %eq3A_63 = vector.broadcast %eq3A : i32 to vector<16xi32>
    %eq3A_64 = arith.cmpi eq, %iota3A, %eq3A_63 : vector<16xi32>
    %get3A = arith.constant 0 : i32
    %get3A_65 = arith.index_cast %get3A : i32 to index
    %get3A_66 = arith.constant 0 : index
    %get3A_67 = tpu.vector_load %arg7[%get3A_65, %get3A_66] {strides = array<i32>} : memref<8x16xf32, #tpu.memory_space<vmem>>, vector<16xf32>,
    %reduce_sum3A = arith.constant true
    %reduce_sum3A_68 = vector.broadcast %reduce_sum3A : i1 to vector<16xi1>
    %reduce_sum3A_69 = tpu.scan <sum>, %get3A_67 masked %reduce_sum3A_68 : vector<16xf32>, vector<16xi1> -> vector<16xf32>
    %reduce_sum3A_70 = vector.extract %reduce_sum3A_69[15] : f32 from vector<16xf32>
    %broadcast_in_dim3A_71 = vector.broadcast %reduce_sum3A_70 : f32 to vector<16xf32>
    %select_n3A = arith.select %eq3A_64, %broadcast_in_dim3A_71, %broadcast_in_dim3A_62 : vector<16xi1>, vector<16xf32>
    %eq3A_72 = arith.constant 1 : i32
    %eq3A_73 = vector.broadcast %eq3A_72 : i32 to vector<16xi32>
    %eq3A_74 = arith.cmpi eq, %iota3A, %eq3A_73 : vector<16xi32>
    %get3A_75 = arith.constant 1 : i32
    %get3A_76 = arith.index_cast %get3A_75 : i32 to index
    %get3A_77 = arith.constant 0 : index
    %get3A_78 = tpu.vector_load %arg7[%get3A_76, %get3A_77] {strides = array<i32>} : memref<8x16xf32, #tpu.memory_space<vmem>>, vector<16xf32>,
    %reduce_sum3A_79 = arith.constant true
    %reduce_sum3A_80 = vector.broadcast %reduce_sum3A_79 : i1 to vector<16xi1>
    %reduce_sum3A_81 = tpu.scan <sum>, %get3A_78 masked %reduce_sum3A_80 : vector<16xf32>, vector<16xi1> -> vector<16xf32>
    %reduce_sum3A_82 = vector.extract %reduce_sum3A_81[15] : f32 from vector<16xf32>
    %broadcast_in_dim3A_83 = vector.broadcast %reduce_sum3A_82 : f32 to vector<16xf32>
    %select_n3A_84 = arith.select %eq3A_74, %broadcast_in_dim3A_83, %select_n3A : vector<16xi1>, vector<16xf32>
    %eq3A_85 = arith.constant 2 : i32
    %eq3A_86 = vector.broadcast %eq3A_85 : i32 to vector<16xi32>
    %eq3A_87 = arith.cmpi eq, %iota3A, %eq3A_86 : vector<16xi32>
    %get3A_88 = arith.constant 2 : i32
    %get3A_89 = arith.index_cast %get3A_88 : i32 to index
    %get3A_90 = arith.constant 0 : index
    %get3A_91 = tpu.vector_load %arg7[%get3A_89, %get3A_90] {strides = array<i32>} : memref<8x16xf32, #tpu.memory_space<vmem>>, vector<16xf32>,
    %reduce_sum3A_92 = arith.constant true
    %reduce_sum3A_93 = vector.broadcast %reduce_sum3A_92 : i1 to vector<16xi1>
    %reduce_sum3A_94 = tpu.scan <sum>, %get3A_91 masked %reduce_sum3A_93 : vector<16xf32>, vector<16xi1> -> vector<16xf32>
    %reduce_sum3A_95 = vector.extract %reduce_sum3A_94[15] : f32 from vector<16xf32>
    %broadcast_in_dim3A_96 = vector.broadcast %reduce_sum3A_95 : f32 to vector<16xf32>
    %select_n3A_97 = arith.select %eq3A_87, %broadcast_in_dim3A_96, %select_n3A_84 : vector<16xi1>, vector<16xf32>
    %eq3A_98 = arith.constant 3 : i32
    %eq3A_99 = vector.broadcast %eq3A_98 : i32 to vector<16xi32>
    %eq3A_100 = arith.cmpi eq, %iota3A, %eq3A_99 : vector<16xi32>
    %get3A_101 = arith.constant 3 : i32
    %get3A_102 = arith.index_cast %get3A_101 : i32 to index
    %get3A_103 = arith.constant 0 : index
    %get3A_104 = tpu.vector_load %arg7[%get3A_102, %get3A_103] {strides = array<i32>} : memref<8x16xf32, #tpu.memory_space<vmem>>, vector<16xf32>,
    %reduce_sum3A_105 = arith.constant true
    %reduce_sum3A_106 = vector.broadcast %reduce_sum3A_105 : i1 to vector<16xi1>
    %reduce_sum3A_107 = tpu.scan <sum>, %get3A_104 masked %reduce_sum3A_106 : vector<16xf32>, vector<16xi1> -> vector<16xf32>
    %reduce_sum3A_108 = vector.extract %reduce_sum3A_107[15] : f32 from vector<16xf32>
    %broadcast_in_dim3A_109 = vector.broadcast %reduce_sum3A_108 : f32 to vector<16xf32>
    %select_n3A_110 = arith.select %eq3A_100, %broadcast_in_dim3A_109, %select_n3A_97 : vector<16xi1>, vector<16xf32>
    %eq3A_111 = arith.constant 4 : i32
    %eq3A_112 = vector.broadcast %eq3A_111 : i32 to vector<16xi32>
    %eq3A_113 = arith.cmpi eq, %iota3A, %eq3A_112 : vector<16xi32>
    %get3A_114 = arith.constant 4 : i32
    %get3A_115 = arith.index_cast %get3A_114 : i32 to index
    %get3A_116 = arith.constant 0 : index
    %get3A_117 = tpu.vector_load %arg7[%get3A_115, %get3A_116] {strides = array<i32>} : memref<8x16xf32, #tpu.memory_space<vmem>>, vector<16xf32>,
    %reduce_sum3A_118 = arith.constant true
    %reduce_sum3A_119 = vector.broadcast %reduce_sum3A_118 : i1 to vector<16xi1>
    %reduce_sum3A_120 = tpu.scan <sum>, %get3A_117 masked %reduce_sum3A_119 : vector<16xf32>, vector<16xi1> -> vector<16xf32>
    %reduce_sum3A_121 = vector.extract %reduce_sum3A_120[15] : f32 from vector<16xf32>
    %broadcast_in_dim3A_122 = vector.broadcast %reduce_sum3A_121 : f32 to vector<16xf32>
    %select_n3A_123 = arith.select %eq3A_113, %broadcast_in_dim3A_122, %select_n3A_110 : vector<16xi1>, vector<16xf32>
    %eq3A_124 = arith.constant 5 : i32
    %eq3A_125 = vector.broadcast %eq3A_124 : i32 to vector<16xi32>
    %eq3A_126 = arith.cmpi eq, %iota3A, %eq3A_125 : vector<16xi32>
    %get3A_127 = arith.constant 5 : i32
    %get3A_128 = arith.index_cast %get3A_127 : i32 to index
    %get3A_129 = arith.constant 0 : index
    %get3A_130 = tpu.vector_load %arg7[%get3A_128, %get3A_129] {strides = array<i32>} : memref<8x16xf32, #tpu.memory_space<vmem>>, vector<16xf32>,
    %reduce_sum3A_131 = arith.constant true
    %reduce_sum3A_132 = vector.broadcast %reduce_sum3A_131 : i1 to vector<16xi1>
    %reduce_sum3A_133 = tpu.scan <sum>, %get3A_130 masked %reduce_sum3A_132 : vector<16xf32>, vector<16xi1> -> vector<16xf32>
    %reduce_sum3A_134 = vector.extract %reduce_sum3A_133[15] : f32 from vector<16xf32>
    %broadcast_in_dim3A_135 = vector.broadcast %reduce_sum3A_134 : f32 to vector<16xf32>
    %select_n3A_136 = arith.select %eq3A_126, %broadcast_in_dim3A_135, %select_n3A_123 : vector<16xi1>, vector<16xf32>
    %eq3A_137 = arith.constant 6 : i32
    %eq3A_138 = vector.broadcast %eq3A_137 : i32 to vector<16xi32>
    %eq3A_139 = arith.cmpi eq, %iota3A, %eq3A_138 : vector<16xi32>
    %get3A_140 = arith.constant 6 : i32
    %get3A_141 = arith.index_cast %get3A_140 : i32 to index
    %get3A_142 = arith.constant 0 : index
    %get3A_143 = tpu.vector_load %arg7[%get3A_141, %get3A_142] {strides = array<i32>} : memref<8x16xf32, #tpu.memory_space<vmem>>, vector<16xf32>,
    %reduce_sum3A_144 = arith.constant true
    %reduce_sum3A_145 = vector.broadcast %reduce_sum3A_144 : i1 to vector<16xi1>
    %reduce_sum3A_146 = tpu.scan <sum>, %get3A_143 masked %reduce_sum3A_145 : vector<16xf32>, vector<16xi1> -> vector<16xf32>
    %reduce_sum3A_147 = vector.extract %reduce_sum3A_146[15] : f32 from vector<16xf32>
    %broadcast_in_dim3A_148 = vector.broadcast %reduce_sum3A_147 : f32 to vector<16xf32>
    %select_n3A_149 = arith.select %eq3A_139, %broadcast_in_dim3A_148, %select_n3A_136 : vector<16xi1>, vector<16xf32>
    %eq3A_150 = arith.constant 7 : i32
    %eq3A_151 = vector.broadcast %eq3A_150 : i32 to vector<16xi32>
    %eq3A_152 = arith.cmpi eq, %iota3A, %eq3A_151 : vector<16xi32>
    %get3A_153 = arith.constant 7 : i32
    %get3A_154 = arith.index_cast %get3A_153 : i32 to index
    %get3A_155 = arith.constant 0 : index
    %get3A_156 = tpu.vector_load %arg7[%get3A_154, %get3A_155] {strides = array<i32>} : memref<8x16xf32, #tpu.memory_space<vmem>>, vector<16xf32>,
    %reduce_sum3A_157 = arith.constant true
    %reduce_sum3A_158 = vector.broadcast %reduce_sum3A_157 : i1 to vector<16xi1>
    %reduce_sum3A_159 = tpu.scan <sum>, %get3A_156 masked %reduce_sum3A_158 : vector<16xf32>, vector<16xi1> -> vector<16xf32>
    %reduce_sum3A_160 = vector.extract %reduce_sum3A_159[15] : f32 from vector<16xf32>
    %broadcast_in_dim3A_161 = vector.broadcast %reduce_sum3A_160 : f32 to vector<16xf32>
    %select_n3A_162 = arith.select %eq3A_152, %broadcast_in_dim3A_161, %select_n3A_149 : vector<16xi1>, vector<16xf32>
    %reduce_max3A = arith.constant true
    %reduce_max3A_163 = vector.broadcast %reduce_max3A : i1 to vector<16xi1>
    %reduce_max3A_164 = tpu.scan <max>, %select_n3A_162 masked %reduce_max3A_163 : vector<16xf32>, vector<16xi1> -> vector<16xf32>
    %reduce_max3A_165 = vector.extract %reduce_max3A_164[15] : f32 from vector<16xf32>
    %eq3A_166 = vector.broadcast %reduce_max3A_165 : f32 to vector<16xf32>
    %eq3A_167 = arith.cmpf oeq, %select_n3A_162, %eq3A_166 : vector<16xf32>
    %jit3A = arith.constant -3.40282347E+38 : f32
    %broadcast_in_dim3A_168 = vector.broadcast %jit3A : f32 to vector<16xf32>
    %select_n3A_169 = arith.select %eq3A_167, %broadcast_in_dim3A_168, %select_n3A_162 : vector<16xi1>, vector<16xf32>
    %reduce_max3A_170 = arith.constant true
    %reduce_max3A_171 = vector.broadcast %reduce_max3A_170 : i1 to vector<16xi1>
    %reduce_max3A_172 = tpu.scan <max>, %select_n3A_169 masked %reduce_max3A_171 : vector<16xf32>, vector<16xi1> -> vector<16xf32>
    %reduce_max3A_173 = vector.extract %reduce_max3A_172[15] : f32 from vector<16xf32>
    %eq3A_174 = vector.broadcast %reduce_max3A_173 : f32 to vector<16xf32>
    %eq3A_175 = arith.cmpf oeq, %select_n3A_169, %eq3A_174 : vector<16xf32>
    %sub3A = arith.subf %reduce_max3A_173, %reduce_max3A_165 : f32
    %broadcast_in_dim3A_176 = vector.broadcast %sub3A : f32 to vector<16xf32>
    %exp3A = math.exp %broadcast_in_dim3A_176 : vector<16xf32>
    %add3A_177 = arith.constant 1.000000e+00 : f32
    %add3A_178 = vector.broadcast %add3A_177 : f32 to vector<16xf32>
    %add3A_179 = arith.addf %add3A_178, %exp3A : vector<16xf32>
    %div3A = arith.constant 1.000000e+00 : f32
    %div3A_180 = vector.broadcast %div3A : f32 to vector<16xf32>
    %div3A_181 = arith.divf %div3A_180, %add3A_179 : vector<16xf32>
    %broadcast_in_dim3A_182 = arith.constant 0.000000e+00 : f32
    %broadcast_in_dim3A_183 = vector.broadcast %broadcast_in_dim3A_182 : f32 to vector<16xf32>
    %select_n3A_184 = arith.select %eq3A_167, %div3A_181, %broadcast_in_dim3A_183 : vector<16xi1>, vector<16xf32>
    %sub3A_185 = arith.constant 1.000000e+00 : f32
    %sub3A_186 = vector.broadcast %sub3A_185 : f32 to vector<16xf32>
    %sub3A_187 = arith.subf %div3A_181, %sub3A_186 : vector<16xf32>
    %select_n3A_188 = arith.select %eq3A_175, %sub3A_187, %broadcast_in_dim3A_183 : vector<16xi1>, vector<16xf32>
    %sub3A_189 = arith.subf %select_n3A_184, %select_n3A_188 : vector<16xf32>
    %swap3A_190 = arith.constant 0 : index
    %swap3A_191 = tpu.vector_load %arg8[%swap3A_190] {strides = array<i32>} : memref<16xf32, #tpu.memory_space<vmem>>, vector<16xf32>,
    tpu.vector_store %arg8[%swap3A_190], %sub3A_189 {strides = array<i32>} : memref<16xf32, #tpu.memory_space<vmem>>, vector<16xf32>,
    %dma_start3A_192 = arith.constant 0 : i32
    %dma_start3A_193 = tpu.memref_slice %arg4[%add3A, %dma_start3A_192] : memref<32x16xf32, #tpu.memory_space<hbm>> -> memref<1x16xf32, #tpu.memory_space<hbm>>
    %dma_start3A_194 = tpu.memref_squeeze %dma_start3A_193 : memref<1x16xf32, #tpu.memory_space<hbm>> -> memref<16xf32, #tpu.memory_space<hbm>>
    %dma_start3A_195 = arith.constant 0 : i32
    %dma_start3A_196 = tpu.memref_slice %arg4[%add3A, %dma_start3A_195] : memref<32x16xf32, #tpu.memory_space<hbm>> -> memref<1x16xf32, #tpu.memory_space<hbm>>
    %dma_start3A_197 = tpu.memref_squeeze %dma_start3A_196 : memref<1x16xf32, #tpu.memory_space<hbm>> -> memref<16xf32, #tpu.memory_space<hbm>>
    tpu.enqueue_dma source(%arg8 : memref<16xf32, #tpu.memory_space<vmem>>) target(%dma_start3A_197 : memref<16xf32, #tpu.memory_space<hbm>>) target_semaphore(%arg9 : memref<!tpu.dma_semaphore, #tpu.memory_space<semaphore_mem>>)
    %dma_wait3A_198 = arith.constant 0 : i32
    %dma_wait3A_199 = tpu.memref_slice %arg4[%add3A, %dma_wait3A_198] : memref<32x16xf32, #tpu.memory_space<hbm>> -> memref<1x16xf32, #tpu.memory_space<hbm>>
    %dma_wait3A_200 = tpu.memref_squeeze %dma_wait3A_199 : memref<1x16xf32, #tpu.memory_space<hbm>> -> memref<16xf32, #tpu.memory_space<hbm>>
    %dma_wait3A_201 = arith.constant 0 : i32
    %dma_wait3A_202 = tpu.memref_slice %arg4[%add3A, %dma_wait3A_201] : memref<32x16xf32, #tpu.memory_space<hbm>> -> memref<1x16xf32, #tpu.memory_space<hbm>>
    %dma_wait3A_203 = tpu.memref_squeeze %dma_wait3A_202 : memref<1x16xf32, #tpu.memory_space<hbm>> -> memref<16xf32, #tpu.memory_space<hbm>>
    tpu.wait_dma2 semaphore(%arg9 : memref<!tpu.dma_semaphore, #tpu.memory_space<semaphore_mem>>) src(%arg8 : memref<16xf32, #tpu.memory_space<vmem>>) dst(%dma_wait3A_203 : memref<16xf32, #tpu.memory_space<hbm>>)
    return
  }
}

module attributes {stable_mosaic.version = 14 : i64} {
  func.func @_moe_body(%arg0: i32, %arg1: i32, %arg2: memref<32x2048xf32, #tpu.memory_space<vmem>>, %arg3: memref<32x16xf32, #tpu.memory_space<vmem>>, %arg4: memref<1x2048x512xf32, #tpu.memory_space<vmem>>, %arg5: memref<1x2048x512xf32, #tpu.memory_space<vmem>>, %arg6: memref<1x512x2048xf32, #tpu.memory_space<vmem>>, %arg7: memref<32x2048xf32, #tpu.memory_space<vmem>>) attributes {dimension_semantics = [#tpu.dimension_semantics<arbitrary>, #tpu.dimension_semantics<arbitrary>], iteration_bounds = array<i64: 8, 8>, scalar_prefetch = 0 : i64, scratch_operands = 0 : i64, tpu.core_type = #tpu.core_type<tc>, window_params = [{pipeline_mode = #tpu.pipeline_mode<synchronous>, transform_indices = @transform_0, window_bounds = array<i64: 32, 2048>}, {pipeline_mode = #tpu.pipeline_mode<synchronous>, transform_indices = @transform_1, window_bounds = array<i64: 32, 16>}, {transform_indices = @transform_2, window_bounds = array<i64: 1, 2048, 512>}, {transform_indices = @transform_3, window_bounds = array<i64: 1, 2048, 512>}, {transform_indices = @transform_4, window_bounds = array<i64: 1, 512, 2048>}, {pipeline_mode = #tpu.pipeline_mode<synchronous>, transform_indices = @transform_5, window_bounds = array<i64: 32, 2048>}]} {
    %eq3A = arith.constant 0 : i32
    %eq3A_0 = arith.cmpi eq, %arg0, %eq3A : i32
    %eq3A_1 = arith.constant 0 : i32
    %eq3A_2 = arith.cmpi eq, %arg1, %eq3A_1 : i32
    %and3A = arith.andi %eq3A_0, %eq3A_2 : i1
    %get3A = arith.constant 0 : index
    %get3A_3 = arith.constant 0 : index
    %get3A_4 = vector.load %arg2[%get3A, %get3A_3] : memref<32x2048xf32, #tpu.memory_space<vmem>>, vector<32x2048xf32>
    %get3A_5 = arith.constant 0 : index
    %get3A_6 = arith.constant 0 : index
    %get3A_7 = arith.constant 0 : index
    %get3A_8 = vector.load %arg4[%get3A_5, %get3A_6, %get3A_7] : memref<1x2048x512xf32, #tpu.memory_space<vmem>>, vector<1x2048x512xf32>
    %get3A_9 = vector.shape_cast %get3A_8 : vector<1x2048x512xf32> to vector<2048x512xf32>
    %dot_general3A = arith.constant dense<0.000000e+00> : vector<32x512xf32>
    %dot_general3A_10 = tpu.matmul %get3A_4, %get3A_9, %dot_general3A {dimension_numbers = #tpu.dot_dimension_numbers<[1], [0], [0], [1], [0, 0, 1, 1], [], []>, transpose_lhs_hint = false} : vector<32x2048xf32>, vector<2048x512xf32>, vector<32x512xf32> -> vector<32x512xf32>
    %get3A_11 = arith.constant 0 : index
    %get3A_12 = arith.constant 0 : index
    %get3A_13 = arith.constant 0 : index
    %get3A_14 = vector.load %arg5[%get3A_11, %get3A_12, %get3A_13] : memref<1x2048x512xf32, #tpu.memory_space<vmem>>, vector<1x2048x512xf32>
    %get3A_15 = vector.shape_cast %get3A_14 : vector<1x2048x512xf32> to vector<2048x512xf32>
    %dot_general3A_16 = arith.constant dense<0.000000e+00> : vector<32x512xf32>
    %dot_general3A_17 = tpu.matmul %get3A_4, %get3A_15, %dot_general3A_16 {dimension_numbers = #tpu.dot_dimension_numbers<[1], [0], [0], [1], [0, 0, 1, 1], [], []>, transpose_lhs_hint = false} : vector<32x2048xf32>, vector<2048x512xf32>, vector<32x512xf32> -> vector<32x512xf32>
    %logistic3A = arith.negf %dot_general3A_10 : vector<32x512xf32>
    %logistic3A_18 = math.exp %logistic3A : vector<32x512xf32>
    %logistic3A_19 = arith.constant 1.000000e+00 : f32
    %logistic3A_20 = vector.broadcast %logistic3A_19 : f32 to vector<32x512xf32>
    %logistic3A_21 = arith.addf %logistic3A_20, %logistic3A_18 : vector<32x512xf32>
    %logistic3A_22 = arith.divf %logistic3A_20, %logistic3A_21 : vector<32x512xf32>
    %mul3A = arith.mulf %dot_general3A_10, %logistic3A_22 : vector<32x512xf32>
    %mul3A_23 = arith.mulf %mul3A, %dot_general3A_17 : vector<32x512xf32>
    %get3A_24 = arith.constant 0 : index
    %get3A_25 = arith.constant 0 : index
    %get3A_26 = vector.load %arg3[%get3A_24, %get3A_25] : memref<32x16xf32, #tpu.memory_space<vmem>>, vector<32x16xf32>
    %iota3A = tpu.iota {dimensions = array<i32: 1>} : vector<32x16xi32>
    %eq3A_27 = vector.broadcast %arg0 : i32 to vector<32x16xi32>
    %eq3A_28 = arith.cmpi eq, %iota3A, %eq3A_27 : vector<32x16xi32>
    %jit3A = arith.constant 0.000000e+00 : f32
    %broadcast_in_dim3A = vector.broadcast %jit3A : f32 to vector<32x16xf32>
    %select_n3A = arith.select %eq3A_28, %get3A_26, %broadcast_in_dim3A : vector<32x16xi1>, vector<32x16xf32>
    %reduce_sum3A = arith.constant dense<0.000000e+00> : vector<32xf32>
    %reduce_sum3A_29 = vector.multi_reduction <add>, %select_n3A, %reduce_sum3A [1] : vector<32x16xf32> to vector<32xf32>
    %broadcast_in_dim3A_30 = vector.shape_cast %reduce_sum3A_29 : vector<32xf32> to vector<32x1xf32>
    %mul3A_31 = vector.broadcast %broadcast_in_dim3A_30 : vector<32x1xf32> to vector<32x512xf32>
    %mul3A_32 = arith.mulf %mul3A_23, %mul3A_31 : vector<32x512xf32>
    %get3A_33 = arith.constant 0 : index
    %get3A_34 = arith.constant 0 : index
    %get3A_35 = arith.constant 0 : index
    %get3A_36 = vector.load %arg6[%get3A_33, %get3A_34, %get3A_35] : memref<1x512x2048xf32, #tpu.memory_space<vmem>>, vector<1x512x2048xf32>
    %get3A_37 = vector.shape_cast %get3A_36 : vector<1x512x2048xf32> to vector<512x2048xf32>
    %dot_general3A_38 = arith.constant dense<0.000000e+00> : vector<32x2048xf32>
    %dot_general3A_39 = tpu.matmul %mul3A_32, %get3A_37, %dot_general3A_38 {dimension_numbers = #tpu.dot_dimension_numbers<[1], [0], [0], [1], [0, 0, 1, 1], [], []>, transpose_lhs_hint = false} : vector<32x512xf32>, vector<512x2048xf32>, vector<32x2048xf32> -> vector<32x2048xf32>
    %convert_element_type3A = arith.extui %and3A : i1 to i32
    %cond3A = arith.constant 0 : i32
    %cond3A_40 = arith.cmpi ne, %convert_element_type3A, %cond3A : i32
    scf.if %cond3A_40 {
      %swap3A = arith.constant 0 : index
      %swap3A_45 = arith.constant 0 : index
      %swap3A_46 = vector.load %arg7[%swap3A, %swap3A_45] : memref<32x2048xf32, #tpu.memory_space<vmem>>, vector<32x2048xf32>
      tpu.vector_store %arg7[%swap3A, %swap3A_45], %dot_general3A_39 {strides = array<i32>} : memref<32x2048xf32, #tpu.memory_space<vmem>>, vector<32x2048xf32>,
    } else {
    }
    %not3A = arith.constant true
    %not3A_41 = arith.xori %and3A, %not3A : i1
    %convert_element_type3A_42 = arith.extui %not3A_41 : i1 to i32
    %cond3A_43 = arith.constant 0 : i32
    %cond3A_44 = arith.cmpi ne, %convert_element_type3A_42, %cond3A_43 : i32
    scf.if %cond3A_44 {
      %get3A_45 = arith.constant 0 : index
      %get3A_46 = arith.constant 0 : index
      %get3A_47 = vector.load %arg7[%get3A_45, %get3A_46] : memref<32x2048xf32, #tpu.memory_space<vmem>>, vector<32x2048xf32>
      %add3A = arith.addf %get3A_47, %dot_general3A_39 : vector<32x2048xf32>
      %swap3A = arith.constant 0 : index
      %swap3A_48 = arith.constant 0 : index
      %swap3A_49 = vector.load %arg7[%swap3A, %swap3A_48] : memref<32x2048xf32, #tpu.memory_space<vmem>>, vector<32x2048xf32>
      tpu.vector_store %arg7[%swap3A, %swap3A_48], %add3A {strides = array<i32>} : memref<32x2048xf32, #tpu.memory_space<vmem>>, vector<32x2048xf32>,
    } else {
    }
    return
  }
  func.func @transform_0(%arg0: i32, %arg1: i32) -> (i32, i32) {
    %c0_i32 = arith.constant 0 : i32
    %c0_i32_0 = arith.constant 0 : i32
    %c0_i32_1 = arith.constant 0 : i32
    return %c0_i32, %c0_i32_0 : i32, i32
  }
  func.func @transform_1(%arg0: i32, %arg1: i32) -> (i32, i32) {
    %c0_i32 = arith.constant 0 : i32
    %c0_i32_0 = arith.constant 0 : i32
    %c0_i32_1 = arith.constant 0 : i32
    return %c0_i32, %c0_i32_0 : i32, i32
  }
  func.func @transform_2(%arg0: i32, %arg1: i32) -> (i32, i32, i32) {
    %c0_i32 = arith.constant 0 : i32
    %c0_i32_0 = arith.constant 0 : i32
    return %arg0, %c0_i32, %arg1 : i32, i32, i32
  }
  func.func @transform_3(%arg0: i32, %arg1: i32) -> (i32, i32, i32) {
    %c0_i32 = arith.constant 0 : i32
    %c0_i32_0 = arith.constant 0 : i32
    return %arg0, %c0_i32, %arg1 : i32, i32, i32
  }
  func.func @transform_4(%arg0: i32, %arg1: i32) -> (i32, i32, i32) {
    %c0_i32 = arith.constant 0 : i32
    %c0_i32_0 = arith.constant 0 : i32
    return %arg0, %arg1, %c0_i32 : i32, i32, i32
  }
  func.func @transform_5(%arg0: i32, %arg1: i32) -> (i32, i32) {
    %c0_i32 = arith.constant 0 : i32
    %c0_i32_0 = arith.constant 0 : i32
    %c0_i32_1 = arith.constant 0 : i32
    return %c0_i32, %c0_i32_0 : i32, i32
  }
}

</mosaic_0001>

<sc_bundles>
// kernel: kernel.4.cloned.1.call-start
scs
__scs_entry_jumppad:
0x0: {  	(pc) =	sbr.rel $0x88, $3  }
0x1: {  	(tag) =	ssettag $0x0;
	lr =	simm.s32 $0x1  }
0x2: {  	[smem:$0x3F9C] =	sst lr;
	_ =	strace $0xD0000000  }
0x3: {  	_ = 	snop  }
0x4: {  	_ = 	snop  }
0x5: {  	_ = 	snop  }
0x6: {  	_ = 	snop  }
0x7: {  	_ = 	snop  }
__scs_overlays_trampoline_lowered:
0x8: {  	[smem:$0x3FAB] =	sst s0  }
0x9: {  	[smem:$0x3FAC] =	sst s1  }
0xa: {  	[smem:$0x3FAD] =	sst s2  }
0xb: {  	[smem:$0x3FAE] =	sst s3  }
0xc: {  	[smem:$0x3FAF] =	sst s4  }
0xd: {  	[smem:$0x3FB0] =	sst s5  }
0xe: {  	[smem:$0x3FB1] =	sst s6  }
0xf: {  	[smem:$0x3FB2] =	sst s7  }
0x10: {  	[smem:$0x3FB3] =	sst s8  }
0x11: {  	[smem:$0x3FB4] =	sst s9;
	s0 =	simm.s32 @!p0 $0x0  }
0x12: {  	s1 =	sld [smem:$0x3F9A];
	s0 =	simm.s32 @p0 $0x1  }
0x13: {  	[smem:$0x3FB5] =	sst s0;
	s0 =	simm.s32 @!p1 $0x0  }
0x14: {  	s2 =	sld [smem:$0x3F99];
	s0 =	simm.s32 @p1 $0x1  }
0x15: {  	[smem:$0x3FB6] =	sst s0;
	s0 =	simm.s32 @!p2 $0x0  }
0x16: {  	s3 =	sld [smem:$0x3FDB];
	s0 =	simm.s32 @p2 $0x1  }
0x17: {  	s4 =	simm.s32 $0x1BF5;
	[smem:$0x3FB8] =	sst s0  }
0x18: {  	s0 =	sld [smem:$0x3F9B];
	_ =	swait.ge [sflag:s4], $0x0  }
0x19: {  	s7 =	sld [smem:$0x3F9C]  }
0x1a: {  	s8 =	sadd.s32 $0xFFFFE003, lr  }
0x1b: {  	s9 =	sadd.s32 $0xFFFFFEF7, lr;
	s5 =	simm.s32 $0xFFFFFFFF;
	p2 =	slt.u32 s8, $0xFFFFF086  }
0x1c: {  	p1 =	slt.u32 s9, $0xF7A;
	s5 =	simm.s32 @!p2 $0x0  }
0x1d: {  	s5 =	simm.s32 @p1 $0x1;
	p0 =	seq.s32 s7, s2  }
0x1e: {  	s7 =	smul.u32 @!p0 $0xF7A, s2;
	p2 =	seq.s32 @!p0 s5, $0x0  }
0x1f: {  	s9 =	smul.u32 $0xF7A, s1;
	s8 =	simm.s32 @!p0 $0x1BF5;
	p2 =	por !p2, p0  }
0x20: {  	[sflag:s8] =	ssyncset.s32 @!p0 $0xFFFFF086;
	s6 =	sadd.s32 @!p0 s3, s7;
	s7 =	simm.s32 @!p0 $0x108  }
0x21: {  	s3 =	sadd.s32 s3, s9;
	s6 =	sadd.s32 @!p0 $0x88, s6;
	s7 =	simm.s32 @p2 $0x1082  }
0x22: {  	[simem:s7], [sflag:s8] =	dma.local @!p0 [hbm:s6], $0xF7A  }
0x23: {  	s9 =	sor.u32 $0xD0000000, s2;
	s6 =	simm.s32 $0x108;
	_ =	swait.ge @!p0 [sflag:s8], $0x0  }
0x24: {  	s3 =	sadd.s32 $0x88, s3;
	s6 =	simm.s32 @!p1 $0x1082;
	[sflag:s4] =	ssyncset.s32 $0xFFFFF086  }
0x25: {  	[simem:s6], [sflag:s4] =	dma.local [hbm:s3], $0xF7A  }
0x26: {  	[smem:$0x3F9C] =	sst s1;
	(tag) =	ssettag s2;
	_ =	strace s9  }
0x27: {  	s1 =	sld [smem:$0x3FAC]  }
0x28: {  	s2 =	sld [smem:$0x3FAD]  }
0x29: {  	s4 =	sld [smem:$0x3FAF]  }
0x2a: {  	p0 =	seq.s32 s5, $0x0;
	s5 =	sld [smem:$0x3FB0]  }
0x2b: {  	s6 =	sld [smem:$0x3FB1]  }
0x2c: {  	s7 =	sld [smem:$0x3FB2]  }
0x2d: {  	s3 =	simm.s32 $0x108;
	s8 =	sld [smem:$0x3FB3]  }
0x2e: {  	s3 =	simm.s32 @!p0 $0x1082;
	s9 =	sld [smem:$0x3FB4]  }
0x2f: {  	lr =	sadd.s32 s0, s3;
	s0 =	sld [smem:$0x3FAB]  }
0x30: {  	s3 =	sld [smem:$0x3FAE]  }
0x31: {  	[smem:$0x3FB7] =	sst s10  }
0x32: {  	s10 =	sld [smem:$0x3FB5];
	_ =	sdelay $0x3  }
0x33: {  	p0 =	seq.s32 s10, $0x1;
	s10 =	sld [smem:$0x3FB7];
	_ =	sdelay $0x3  }
0x34: {  	[smem:$0x3FB7] =	sst s10  }
0x35: {  	s10 =	sld [smem:$0x3FB6];
	_ =	sdelay $0x3  }
0x36: {  	p1 =	seq.s32 s10, $0x1;
	s10 =	sld [smem:$0x3FB7];
	_ =	sdelay $0x3  }
0x37: {  	[smem:$0x3FB7] =	sst s10  }
0x38: {  	s10 =	sld [smem:$0x3FB8]  }
0x39: {  	_ = 	snop;
	(pc) =	sbr.ind lr, $3  }
0x3a: {  	_ = 	snop  }
0x3b: {  	_ = 	snop  }
0x3c: {  	p2 =	seq.s32 s10, $0x1;
	s10 =	sld [smem:$0x3FB7]  }
0x3d: {  	_ =	shalt  }
0x3e: {  	_ =	shalt  }
0x3f: {  	_ =	shalt  }
0x40: {  	_ =	shalt  }
0x41: {  	_ =	shalt  }
0x42: {  	_ =	shalt  }
0x43: {  	_ =	shalt  }
0x44: {  	_ =	shalt  }
0x45: {  	_ =	shalt  }
0x46: {  	_ =	shalt  }
0x47: {  	_ =	shalt  }
0x48: {  	_ =	shalt  }
0x49: {  	_ =	shalt  }
0x4a: {  	_ =	shalt  }
0x4b: {  	_ =	shalt  }
0x4c: {  	_ =	shalt  }
0x4d: {  	_ =	shalt  }
0x4e: {  	_ =	shalt  }
0x4f: {  	_ =	shalt  }
0x50: {  	_ =	shalt  }
0x51: {  	_ =	shalt  }
0x52: {  	_ =	shalt  }
0x53: {  	_ =	shalt  }
0x54: {  	_ =	shalt  }
0x55: {  	_ =	shalt  }
0x56: {  	_ =	shalt  }
0x57: {  	_ =	shalt  }
0x58: {  	_ =	shalt  }
0x59: {  	_ =	shalt  }
0x5a: {  	_ =	shalt  }
0x5b: {  	_ =	shalt  }
0x5c: {  	_ =	shalt  }
0x5d: {  	_ =	shalt  }
0x5e: {  	_ =	shalt  }
0x5f: {  	_ =	shalt  }
0x60: {  	_ =	shalt  }
0x61: {  	_ =	shalt  }
0x62: {  	_ =	shalt  }
0x63: {  	_ =	shalt  }
0x64: {  	_ =	shalt  }
0x65: {  	_ =	shalt  }
0x66: {  	_ =	shalt  }
0x67: {  	_ =	shalt  }
0x68: {  	_ =	shalt  }
0x69: {  	_ =	shalt  }
0x6a: {  	_ =	shalt  }
0x6b: {  	_ =	shalt  }
0x6c: {  	_ =	shalt  }
0x6d: {  	_ =	shalt  }
0x6e: {  	_ =	shalt  }
0x6f: {  	_ =	shalt  }
0x70: {  	_ =	shalt  }
0x71: {  	_ =	shalt  }
0x72: {  	_ =	shalt  }
0x73: {  	_ =	shalt  }
0x74: {  	_ =	shalt  }
0x75: {  	_ =	shalt  }
0x76: {  	_ =	shalt  }
0x77: {  	_ =	shalt  }
0x78: {  	_ =	shalt  }
0x79: {  	_ =	shalt  }
0x7a: {  	_ =	shalt  }
0x7b: {  	_ =	shalt  }
0x7c: {  	_ =	shalt  }
0x7d: {  	_ =	shalt  }
0x7e: {  	_ =	shalt  }
0x7f: {  	_ =	shalt  }
0x80: {  	_ =	shalt  }
0x81: {  	_ =	shalt  }
0x82: {  	_ =	shalt  }
0x83: {  	_ =	shalt  }
0x84: {  	_ =	shalt  }
0x85: {  	_ =	shalt  }
0x86: {  	_ =	shalt  }
0x87: {  	_ =	shalt  }
.Lfunc_end0:
.L_simem_size_0:
called_computation_lowered:
.L_overlay_start_0:
0x88: {  	s2 =	sld [smem:$0x3FD9]  }
0x89: {  	s3 =	sld [smem:$0x3FFE];
	_ =	sdelay $0x1  }
0x8a: {  	s1 =	srdreg.scid  }
0x8b: {  	s0 =	sand.u32 $0x1, s1  }
0x8c: {  	s18 =	sshll.u32 s0, $0xA;
	s2 =	sadd.s32 s3, s2  }
0x8d: {  	s2 =	sadd.s32 s2, s18  }
0x8e: {  	[smem:$0x3FC3] =	sst s2  }
0x8f: {  	_ = 	snop  }
0x90: {  	s2 =	sld [smem:$0x3FC9]  }
0x91: {  	s19 =	sld [smem:$0x3FC8]  }
0x92: {  	s4 =	sld [smem:$0x3FD0];
	(tm) =	ssettm $0x1  }
0x93: {  	s5 =	sld [smem:$0x3FFB];
	_ =	sdelay $0x3  }
0x94: {  	_ =	strace s5  }
0x95: {  	s5 =	sld [smem:$0x3FFC];
	_ =	sdelay $0x3  }
0x96: {  	_ =	strace s5  }
0x97: {  	s5 =	sld [smem:$0x3FFD];
	_ =	sdelay $0x3  }
0x98: {  	_ =	strace s5  }
0x99: {  	_ =	strace $0x8FFFFFFF  }
0x9a: {  	s20 =	sld [smem:$0x3FDB];
	_ =	sdelay $0x1  }
0x9b: {  	s6 =	simm.s32 $_scs_section_size  }
0x9c: {  	s7 =	simm.s32 $_size__tile_overlayer_lowered;
	s8 =	simm.s32 $_tile_overlayer_lowered  }
0x9d: {  	s23 =	simm.s32 $0x1BFF;
	s22 =	sshll.u32 s8, $0x1;
	s5 =	sadd.s32 s6, s20  }
0x9e: {  	s9 =	simm.s32 $0x0;
	s21 =	sshll.u32 s7, $0x1;
	s7 =	sadd.s32 s22, s5  }
0x9f: {  	[timem:s9], [sflag:s23] =	dma.local [hbm:s7], s21  }
0xa0: {  	_ =	swait.ge [sflag:s23], s21  }
0xa1: {  	s6 =	ssub.s32 $0x0, s21;
	[sflag:s23] =	ssyncset.done $0x0  }
0xa2: {  	[sflag:s23] =	ssyncadd.s32 s6;
	_ =	sdelay $0x1  }
0xa3: {  	s24 =	simm.s32 $0x1B8B  }
0xa4: {  	_ =	swait.ge [sflag:s24], $0x1  }
0xa5: {  	[sflag:s24] =	ssyncset.done $0x0  }
0xa6: {  	s25 =	simm.s32 $0x1B8E;
	[sflag:s24] =	ssyncadd.s32 $0xFFFFFFFF  }
0xa7: {  	s26 =	simm.s32 $execute0_lowered;
	[smem:$0x3FD2] =	sst s25  }
0xa8: {  	s6 =	sshll.u32 s26, $0x1;
	_ =	strace $0x80000046;
	[dreg:$0x1] =	wrdreg $0xFFFFFFFF  }
0xa9: {  	s28 =	simm.s32 $_size_execute0_lowered;
	s5 =	sadd.s32 s5, s6;
	[dreg:$0x0] =	wrdreg $0x0  }
0xaa: {  	s6 =	sshll.u32 s28, $0x1;
	[dreg:$0x2] =	wrdreg s5  }
0xab: {  	[dreg:$0x3] =	wrdreg s6  }
0xac: {  	[dreg:$0x4] =	wrdreg $0xC0  }
0xad: {  	_ =	task [dreg:s9], $0x5FFFF  }
0xae: {  	[dreg:$0x1] =	wrdreg $0xFFFFFFFF  }
0xaf: {  	[dreg:$0x0] =	wrdreg $0x60  }
0xb0: {  	[dreg:$0x2] =	wrdreg s2  }
0xb1: {  	[dreg:$0x3] =	wrdreg s19  }
0xb2: {  	[dreg:$0x4] =	wrdreg s4  }
0xb3: {  	[dreg:$0x5] =	wrdreg $0x9  }
0xb4: {  	_ =	task.clear_ibuf [dreg:s9], $0x6FFFF;
	_ =	strace $0x90000046  }
0xb5: {  	s29 =	simm.s32 $0x9;
	_ =	strace $0x80000048  }
0xb6: {  	_ =	swait.ge [sflag:s29], $0x1  }
0xb7: {  	[sflag:s29] =	ssyncadd.s32 $0xFFFFFFFF  }
0xb8: {  	_ =	strace $0x90000048  }
0xb9: {  	_ =	sfence  }
0xba: {  	s30 =	sld [smem:$0x0];
	_ =	sdelay $0x2  }
0xbb: {  	s31 =	sshll.u32 s1, $0xD;
	s1 =	sshrl.u32 s1, $0x2  }
0xbc: {  	s3 =	sand.u32 $0x4000, s31;
	s1 =	sadd.s32 s1, s30  }
0xbd: {  	s0 =	sor.u32 s3, s0;
	s1 =	sshll.u32 s1, $0x11  }
0xbe: {  	s0 =	sor.u32 s1, s0  }
0xbf: {  	s0 =	sadd.s32 $0x8F2B, s0  }
0xc0: {  	[sflag:s0] =	ssyncadd.remote.s32 $0x1  }
0xc1: {  	_ =	sfence.sel $0xFFFF  }
0xc2: {  	[dreg:$0x0] =	wrdreg $0xFFFFFFFF;
	(pc) =	sbr.abs _section_cstart, $3  }
0xc3: {  	[dreg:$0x1] =	wrdreg $0xFFFFFFFF  }
0xc4: {  	_ =	task.clear_ibuf [dreg:s9], $0x2FFFF;
	_ =	strace $0x9FFFFFFF  }
0xc5: {  	(tm) =	ssettm $0x7FFFFFFF  }
tec
execute0_lowered:
.L_overlay_start_1:
0x0: {  	(tag) =	ssettag $0x1  }
0x1: {  	s4 =	rddreg [dreg:$0x0]  }
0x2: {  	s1 =	rddreg [dreg:$0x1]  }
0x3: {  	s5 =	rddreg [dreg:$0x2]  }
0x4: {  	s2 =	srdreg.scid;
	s0 =	rddreg [dreg:$0x3];
	s3 =	simm.s32 $0x0  }
0x5: {  	s11 =	simm.s32 $0x4C00;
	s12 =	simm.s32 $0x0;
	s6 =	sand.u32 $0x1, s2  }
0x6: {  	[smem:$0x7FF] =	sst s3;
	s2 =	stileid.u32;
	s7 =	sshll.u32 s6, $0x4  }
0x7: {  	_ =	strace $0x80000047;
	s6 =	ssub.s32 $0x2, s6;
	s8 =	sshll.u32 s2, $0x7  }
0x8: {  	s7 =	sor.u32 s2, s7;
	s8 =	sand.u32 $0x380, s8;
	s10 =	sshrl.u32 s6, $0x1  }
0x9: {  	s7 =	sshrl.u32 s7, $0x3;
	s6 =	ssub.s32 s6, s10;
	s10 =	simm.s32 $0x800  }
0xa: {  	s9 =	sshll.u32 s7, $0xE;
	s7 =	sshll.u32 s7, $0xA;
	s6 =	smax.u32 s6, $0x1  }
0xb: {  	vm0 =	vmmov $0x1;
	vm1 =	vcmask $0x320;
	s9 =	sor.u32 s8, s9;
	s7 =	sor.u32 s8, s7;
	s8 =	simm.s32 $0x400  }
0xc: {  	vm2 =	vcmask $0x720;
	vm3 =	vcmask $0xB20;
	vm4 =	vcmask $0xF20;
	s31 =	sshrl.u32 s9, $0x3;
	s7 =	sshrl.u32 s7, $0x3;
	s9 =	simm.s32 $0x1  }
0xd: {  	vm5 =	vcmask $0x1320;
	vm6 =	vcmask $0x1720;
	vm7 =	vcmask $0x1B20;
	s4 =	sadd.s32 s4, s31;
	s5 =	sadd.s32 s5, s7;
	s7 =	simm.s32 $0x80  }
.LBB2_1:
0xe: {  	[tilespmem:s3], [sflag:$0x1] =	stream.strided.gather [hbm4b:s4+s7], $0x800, s8, s7, $0x38;
	[tilespmem:$0x4C80] =	vst v63  }
0xf: {  	_ =	swait.ge [sflag:s9], $0x800  }
0x10: {  	[sflag:s9] =	ssyncset.done $0x0  }
0x11: {  	[sflag:s9] =	ssyncadd.s32 $0xFFFFF800  }
0x12: {  	[tilespmem:s10], [sflag:$0x1] =	stream.linear.gather [hbm4b:s1+s3], $0x4000, $0x38;
	[tilespmem:$0x4C80] =	vst v63  }
0x13: {  	_ =	swait.ge [sflag:s9], $0x4000  }
0x14: {  	[sflag:s9] =	ssyncset.done $0x0  }
0x15: {  	v0 =	vimm.f32 $0.0e+00;
	[sflag:s9] =	ssyncadd.s32 $0xFFFFC000  }
0x16: {  	[tilespmem:$0x4800] =	vst v0  }
0x17: {  	[tilespmem:$0x4880] =	vst v0  }
0x18: {  	[tilespmem:$0x4900] =	vst v0  }
0x19: {  	[tilespmem:$0x4980] =	vst v0  }
0x1a: {  	[tilespmem:$0x4A00] =	vst v0  }
0x1b: {  	[tilespmem:$0x4A80] =	vst v0  }
0x1c: {  	[tilespmem:$0x4B00] =	vst v0  }
0x1d: {  	s13 =	sand.u32 $0x70, s3;
	s14 =	sand.u32 $0x3C00, s3;
	[tilespmem:$0x4B80] =	vst v0  }
0x1e: {  	s13 =	sor.u32 s13, s14;
	v8 =	vld [tilespmem:s3+$0x0]  }
0x1f: {  	v1 =	vld [tilespmem:s13+$0x800];
	_ =	sdelay $0x4  }
0x20: {  	v1 =	vmul.f32 v1, v8;
	_ =	sdelay $0x1  }
0x21: {  	v2 =	vadd.f32 v1, v0;
	_ =	sdelay $0x1  }
0x22: {  	[tilespmem:$0x4800] =	vst v2  }
0x23: {  	v1 =	vld [tilespmem:s13+$0x880];
	_ =	sdelay $0x4  }
0x24: {  	v1 =	vmul.f32 v1, v8;
	_ =	sdelay $0x1  }
0x25: {  	v3 =	vadd.f32 v1, v0;
	_ =	sdelay $0x1  }
0x26: {  	[tilespmem:$0x4880] =	vst v3  }
0x27: {  	v1 =	vld [tilespmem:s13+$0x900];
	_ =	sdelay $0x4  }
0x28: {  	v1 =	vmul.f32 v1, v8;
	_ =	sdelay $0x1  }
0x29: {  	v4 =	vadd.f32 v1, v0;
	_ =	sdelay $0x1  }
0x2a: {  	[tilespmem:$0x4900] =	vst v4  }
0x2b: {  	v1 =	vld [tilespmem:s13+$0x980];
	_ =	sdelay $0x4  }
0x2c: {  	v1 =	vmul.f32 v1, v8;
	_ =	sdelay $0x1  }
0x2d: {  	v5 =	vadd.f32 v1, v0;
	_ =	sdelay $0x1  }
0x2e: {  	[tilespmem:$0x4980] =	vst v5  }
0x2f: {  	v1 =	vld [tilespmem:s13+$0xA00];
	_ =	sdelay $0x4  }
0x30: {  	v1 =	vmul.f32 v1, v8;
	_ =	sdelay $0x1  }
0x31: {  	v6 =	vadd.f32 v1, v0;
	_ =	sdelay $0x1  }
0x32: {  	[tilespmem:$0x4A00] =	vst v6  }
0x33: {  	v1 =	vld [tilespmem:s13+$0xA80];
	_ =	sdelay $0x4  }
0x34: {  	v1 =	vmul.f32 v1, v8;
	_ =	sdelay $0x1  }
0x35: {  	v7 =	vadd.f32 v1, v0;
	_ =	sdelay $0x1  }
0x36: {  	[tilespmem:$0x4A80] =	vst v7  }
0x37: {  	v1 =	vld [tilespmem:s13+$0xB00];
	_ =	sdelay $0x4  }
0x38: {  	v1 =	vmul.f32 v1, v8  }
0x39: {  	s31 =	sand.u32 $0x7, s3  }
0x3a: {  	s13 =	sshll.u32 s31, $0x4;
	v1 =	vadd.f32 v1, v0  }
0x3b: {  	s13 =	sadd.s32 $0x0, s13  }
0x3c: {  	s13 =	sor.u32 $0x380, s13;
	[tilespmem:$0x4B00] =	vst v1  }
0x3d: {  	v9 =	vld [tilespmem:s13+$0x800];
	_ =	sdelay $0x4  }
0x3e: {  	v8 =	vmul.f32 v9, v8;
	_ =	sdelay $0x1  }
0x3f: {  	v0 =	vadd.f32 v8, v0  }
0x40: {  	s15 =	simm.s32 $0x10;
	s16 =	simm.s32 $0x20;
	s13 =	simm.s32 $0x80  }
0x41: {  	s17 =	sand.u32 $0x70, s15;
	s14 =	simm.s32 $0x0;
	s18 =	sand.u32 $0x3C00, s13;
	[tilespmem:$0x4B80] =	vst v0  }
.LBB2_2:
0x42: {  	p0 =	sne.s32 s16, $0x7F0;
	v8 =	vld [tilespmem:s15+$0x0];
	s17 =	sor.u32 s17, s18  }
0x43: {  	v9 =	vld [tilespmem:s17+$0x800];
	_ =	sdelay $0x4  }
0x44: {  	v9 =	vmul.f32 v9, v8;
	_ =	sdelay $0x1  }
0x45: {  	v2 =	vadd.f32 v9, v2;
	_ =	sdelay $0x1  }
0x46: {  	[tilespmem:$0x4800] =	vst v2  }
0x47: {  	v9 =	vld [tilespmem:s17+$0x880];
	_ =	sdelay $0x4  }
0x48: {  	v9 =	vmul.f32 v9, v8;
	_ =	sdelay $0x1  }
0x49: {  	v3 =	vadd.f32 v9, v3;
	_ =	sdelay $0x1  }
0x4a: {  	[tilespmem:$0x4880] =	vst v3  }
0x4b: {  	v9 =	vld [tilespmem:s17+$0x900];
	_ =	sdelay $0x4  }
0x4c: {  	v9 =	vmul.f32 v9, v8;
	_ =	sdelay $0x1  }
0x4d: {  	v4 =	vadd.f32 v9, v4;
	_ =	sdelay $0x1  }
0x4e: {  	[tilespmem:$0x4900] =	vst v4  }
0x4f: {  	v9 =	vld [tilespmem:s17+$0x980];
	_ =	sdelay $0x4  }
0x50: {  	v9 =	vmul.f32 v9, v8;
	_ =	sdelay $0x1  }
0x51: {  	v5 =	vadd.f32 v9, v5;
	_ =	sdelay $0x1  }
0x52: {  	[tilespmem:$0x4980] =	vst v5  }
0x53: {  	v9 =	vld [tilespmem:s17+$0xA00];
	_ =	sdelay $0x4  }
0x54: {  	v9 =	vmul.f32 v9, v8;
	_ =	sdelay $0x1  }
0x55: {  	v6 =	vadd.f32 v9, v6;
	_ =	sdelay $0x1  }
0x56: {  	[tilespmem:$0x4A00] =	vst v6  }
0x57: {  	v9 =	vld [tilespmem:s17+$0xA80];
	_ =	sdelay $0x4  }
0x58: {  	v9 =	vmul.f32 v9, v8;
	_ =	sdelay $0x1  }
0x59: {  	v7 =	vadd.f32 v9, v7;
	_ =	sdelay $0x1  }
0x5a: {  	[tilespmem:$0x4A80] =	vst v7  }
0x5b: {  	v9 =	vld [tilespmem:s17+$0xB00];
	_ =	sdelay $0x4  }
0x5c: {  	s14 =	sadd.s32 $0x1, s14;
	v9 =	vmul.f32 v9, v8  }
0x5d: {  	s17 =	sand.u32 $0x7, s14  }
0x5e: {  	s17 =	sshll.u32 s17, $0x4;
	v1 =	vadd.f32 v9, v1  }
0x5f: {  	s17 =	sadd.s32 s17, s13  }
0x60: {  	s17 =	sor.u32 $0x380, s17;
	[tilespmem:$0x4B00] =	vst v1  }
0x61: {  	v9 =	vld [tilespmem:s17+$0x800];
	_ =	sdelay $0x4  }
.Ltmp0:
0x62: {  	v8 =	vmul.f32 v9, v8;
	(pc) =	sbr.rel @p0 .LBB2_2-.Ltmp0, $4  }
0x63: {  	_ = 	snop  }
0x64: {  	v0 =	vadd.f32 v8, v0  }
0x65: {  	s15 =	sadd.s32 $0x10, s15;
	s13 =	sadd.s32 $0x80, s13  }
0x66: {  	s18 =	sand.u32 $0x3C00, s13;
	s17 =	sand.u32 $0x70, s16;
	s16 =	sadd.s32 $0x10, s16;
	[tilespmem:$0x4B80] =	vst v0  }
0x67: {  	v8 =	vld [tilespmem:s15+$0x0];
	s29 =	sor.u32 s17, s18  }
0x68: {  	v9 =	vld [tilespmem:s29+$0x800];
	_ =	sdelay $0x4  }
0x69: {  	v9 =	vmul.f32 v9, v8;
	_ =	sdelay $0x1  }
0x6a: {  	v2 =	vadd.f32 v9, v2;
	_ =	sdelay $0x1  }
0x6b: {  	[tilespmem:$0x4800] =	vst v2  }
0x6c: {  	v37 =	vld [tilespmem:s29+$0x880];
	_ =	sdelay $0x4  }
0x6d: {  	v9 =	vmul.f32 v37, v8;
	_ =	sdelay $0x1  }
0x6e: {  	v3 =	vadd.f32 v9, v3;
	_ =	sdelay $0x1  }
0x6f: {  	[tilespmem:$0x4880] =	vst v3  }
0x70: {  	v38 =	vld [tilespmem:s29+$0x900];
	_ =	sdelay $0x4  }
0x71: {  	v9 =	vmul.f32 v38, v8;
	_ =	sdelay $0x1  }
0x72: {  	v4 =	vadd.f32 v9, v4;
	_ =	sdelay $0x1  }
0x73: {  	[tilespmem:$0x4900] =	vst v4  }
0x74: {  	v39 =	vld [tilespmem:s29+$0x980];
	_ =	sdelay $0x4  }
0x75: {  	v9 =	vmul.f32 v39, v8;
	_ =	sdelay $0x1  }
0x76: {  	v5 =	vadd.f32 v9, v5;
	_ =	sdelay $0x1  }
0x77: {  	[tilespmem:$0x4980] =	vst v5  }
0x78: {  	v40 =	vld [tilespmem:s29+$0xA00];
	_ =	sdelay $0x4  }
0x79: {  	v9 =	vmul.f32 v40, v8;
	_ =	sdelay $0x1  }
0x7a: {  	v6 =	vadd.f32 v9, v6;
	_ =	sdelay $0x1  }
0x7b: {  	[tilespmem:$0x4A00] =	vst v6  }
0x7c: {  	v41 =	vld [tilespmem:s29+$0xA80];
	_ =	sdelay $0x4  }
0x7d: {  	v9 =	vmul.f32 v41, v8;
	_ =	sdelay $0x1  }
0x7e: {  	v7 =	vadd.f32 v9, v7;
	_ =	sdelay $0x1  }
0x7f: {  	[tilespmem:$0x4A80] =	vst v7  }
0x80: {  	v42 =	vld [tilespmem:s29+$0xB00];
	_ =	sdelay $0x4  }
0x81: {  	s14 =	sadd.s32 $0x1, s14;
	v9 =	vmul.f32 v42, v8  }
0x82: {  	s14 =	sand.u32 $0x7, s14  }
0x83: {  	s14 =	sshll.u32 s14, $0x4;
	v1 =	vadd.f32 v9, v1  }
0x84: {  	s13 =	sadd.s32 s14, s13  }
0x85: {  	s13 =	sor.u32 $0x380, s13;
	[tilespmem:$0x4B00] =	vst v1  }
0x86: {  	v43 =	vld [tilespmem:s13+$0x800];
	_ =	sdelay $0x1  }
0x87: {  	(xrf2) =	vadd.scan.msk.f32 $0xffff, v2  }
0x88: {  	(xrf2) =	vadd.scan.msk.f32 $0xffff, v3  }
0x89: {  	(xrf2) =	vadd.scan.msk.f32 $0xffff, v4  }
0x8a: {  	(xrf2) =	vadd.scan.msk.f32 $0xffff, v5;
	v44 =	vmul.f32 v43, v8  }
0x8b: {  	(xrf2) =	vadd.scan.msk.f32 $0xffff, v6  }
0x8c: {  	(xrf2) =	vadd.scan.msk.f32 $0xffff, v7;
	v0 =	vadd.f32 v44, v0  }
0x8d: {  	(xrf2) =	vadd.scan.msk.f32 $0xffff, v1  }
0x8e: {  	(xrf2) =	vadd.scan.msk.f32 $0xffff, v0;
	_ =	sdelay $0x2  }
0x8f: {  	v45, _, _ =	vpop (xrf2)  }
0x90: {  	v46, _, _ =	vpop (xrf2);
	v1 =	vbroadcast v45, $0xF  }
0x91: {  	v2 =	vbroadcast v46, $0xF;
	v47, _, _ =	vpop (xrf2)  }
0x92: {  	v3 =	vbroadcast v47, $0xF;
	v48, _, _ =	vpop (xrf2);
	v1 =	vnsel vm0, $0xFF7FFFFF, v1  }
0x93: {  	v50 =	vbroadcast v48, $0xF;
	v49, _, _ =	vpop (xrf2);
	v1 =	vsel vm1, v1, v2  }
0x94: {  	v52 =	vbroadcast v49, $0xF;
	v51, _, _ =	vpop (xrf2);
	v1 =	vsel vm2, v1, v3  }
0x95: {  	v54 =	vbroadcast v51, $0xF;
	v1 =	vsel vm3, v1, v50;
	v53, _, _ =	vpop (xrf2)  }
0x96: {  	v1 =	vsel vm4, v1, v52;
	v55 =	vbroadcast v53, $0xF;
	v56, _, _ =	vpop (xrf2)  }
0x97: {  	v1 =	vsel vm5, v1, v54;
	v57 =	vbroadcast v56, $0xF  }
0x98: {  	v1 =	vsel vm6, v1, v55  }
0x99: {  	v1 =	vsel vm7, v1, v57  }
0x9a: {  	(xrf0) =	vmax.scan.msk.f32 $0xffff, v1;
	_ =	sdelay $0x5  }
0x9b: {  	v58, _, _ =	vpop (xrf0)  }
0x9c: {  	v59 =	vbroadcast v58, $0xF;
	_ =	sdelay $0x1  }
0x9d: {  	vm8 =	veq.f32 v1, v59  }
0x9e: {  	v1 =	vsel vm8, $0xFF7FFFFF, v1  }
0x9f: {  	(xrf0) =	vmax.scan.msk.f32 $0xffff, v1;
	_ =	sdelay $0x5  }
0xa0: {  	(v2sf) =	vpush v58, $0xF;
	v60, _, _ =	vpop (xrf0)  }
0xa1: {  	(v2sf) =	vpush v60, $0xF;
	_ =	sdelay $0xd  }
0xa2: {  	s30 =	spop (v2sf)  }
0xa3: {  	s31 =	spop (v2sf)  }
0xa4: {  	s13 =	ssub.f32 s31, s30;
	_ =	sdelay $0x1  }
0xa5: {  	v61 =	vmov s13  }
0xa6: {  	v3 =	vmul.f32 $1.442695020e+00, v61;
	_ =	sdelay $0x1  }
0xa7: {  	v3 =	vbroadcast v3, $0x0;
	_ =	sdelay $0x1  }
0xa8: {  	(erf) = vpow2.f32 v3;
	_ =	sdelay $0x8  }
0xa9: {  	v3 =	vpop (erf)  }
0xaa: {  	v3 =	vadd.f32 $1.000000000e+00, v3;
	_ =	sdelay $0x1  }
0xab: {  	(erf) = vrcp.f32 v3;
	_ =	sdelay $0x8  }
0xac: {  	v2 =	vbroadcast v60, $0xF;
	v3 =	vpop (erf)  }
0xad: {  	v62 =	vadd.f32 $-1.000000000e+00, v3  }
0xae: {  	vm9 =	veq.f32 v1, v2  }
0xaf: {  	v63 =	vnsel vm8, $0x0, v3;
	v2 =	vnsel vm9, $0x0, v62  }
0xb0: {  	s12 =	sadd.s32 $0x1, s12;
	v1 =	vsub.f32 v63, v2  }
0xb1: {  	p0 =	sne.s32 s12, s6;
	[tilespmem:$0x4B80] =	vst v0  }
.Ltmp1:
0xb2: {  	[tilespmem:$0x4C00] =	vst v1;
	(pc) =	sbr.rel @p0 .LBB2_1-.Ltmp1, $4  }
0xb3: {  	[hbm4b:s5+s3] =	stream.linear.scatter [tilespmem:s11], [sflag:$0x1], $0x80, $0x38;
	[tilespmem:$0x4C80] =	vst v63  }
0xb4: {  	_ =	swait.ge [sflag:s9], $0x80  }
0xb5: {  	[sflag:s9] =	ssyncset.done $0x0  }
0xb6: {  	[sflag:s9] =	ssyncadd.s32 $0xFFFFFF80  }
0xb7: {  	_ =	sfence.sel $0x180000  }
0xb8: {  	[bflag:$0x0] =	sbarrier.arrive $0xFFFF  }
0xb9: {  	p0 =	sne.s32 s2, $0x0;
	_ =	strace $0x90000047  }
0xba: {  	s0 =	sadd.s32 @!p0 $0x100000, s0;
	[bflag:$0x2] =	sbarrier.arrive $0xFFFF  }
0xbb: {  	[sflag:s0] =	ssyncadd.tile.s32 @!p0 $0x1;
	_ =	shalt  }
.Lfunc_end2:
_tile_overlayer_lowered:
.L_overlay_start_2:
0xbc: {  	(tag) =	ssettag $0x2  }
0xbd: {  	s0 =	rddreg [dreg:$0x0];
	s2 =	stileid.u32  }
0xbe: {  	s1 =	rddreg [dreg:$0x1];
	p0 =	sne.s32 s2, $0x0  }
0xbf: {  	s3 =	rddreg [dreg:$0x2];
	[bflag:$0x3] =	sbarrier.arrive $0xFFFF;
	s2 =	simm.s32 @!p0 $0x1C02  }
0xc0: {  	[timem:s3], [sflag:s2] =	dma.local @!p0 [hbm:s0], s1  }
0xc1: {  	s0 =	simm.s32 @!p0 $0x2  }
0xc2: {  	_ =	swait.ge @!p0 [sflag:s0], s1  }
0xc3: {  	s1 =	ssub.s32 @!p0 $0x0, s1;
	[sflag:s0] =	ssyncset.done @!p0 $0x0  }
0xc4: {  	[sflag:s0] =	ssyncadd.s32 @!p0 s1  }
0xc5: {  	[bflag:$0x3] =	sbarrier.arrive $0xFFFF  }
0xc6: {  	_ =	shalt  }

</sc_bundles>
